<compile_context>
chip_gen: v7x
topology: tpu7x:2x2x1
jax: 0.10.2.dev20260603
libtpu: 0.0.44.dev20260713+nightly
codegen_flags: <defaults>
</compile_context>

<pallas_src>
import functools

import jax
import jax.numpy as jnp
from jax import lax
from jax.experimental import pallas as pl
from jax.experimental.pallas import tpu as pltpu
from jax.experimental.pallas import tpu_sc as plsc

_NUM_CORES = 2
_NUM_SUBCORES = 16
_NUM_WORKERS = _NUM_CORES * _NUM_SUBCORES
_LANES = 16
_LN10 = 2.302585092994045684


@functools.lru_cache(maxsize=None)
def _build(n_families: int, batch: int):
    assert batch % (8 * _NUM_WORKERS) == 0
    b_per_w = batch // _NUM_WORKERS
    mesh = plsc.VectorSubcoreMesh(core_axis_name="c", subcore_axis_name="s")

    @functools.partial(
        pl.kernel,
        mesh=mesh,
        out_type=jax.ShapeDtypeStruct((batch,), jnp.float32),
        scratch_types=[
            pltpu.VMEM((b_per_w,), jnp.int32),
            pltpu.VMEM((b_per_w,), jnp.float32),
            pltpu.VMEM((b_per_w,), jnp.float32),
            pltpu.VMEM((b_per_w,), jnp.float32),
            pltpu.SemaphoreType.DMA,
        ],
    )
    def sample_kernel(mu_hbm, ls_hbm, noise_hbm, ids_hbm, out_hbm,
                      idx_v, mu_v, sig_v, noise_v, sem):
        wid = lax.axis_index("s") * _NUM_CORES + lax.axis_index("c")
        base = wid * b_per_w
        pltpu.sync_copy(ids_hbm.at[pl.ds(base, b_per_w)], idx_v)
        gat_mu = pltpu.async_copy(mu_hbm.at[idx_v], mu_v, sem)
        gat_ls = pltpu.async_copy(ls_hbm.at[idx_v], sig_v, sem)
        pltpu.sync_copy(noise_hbm.at[pl.ds(base, b_per_w)], noise_v)
        gat_mu.wait()
        gat_ls.wait()
        def body(i, carry):
            s = pl.ds(i * _LANES, _LANES)
            m = mu_v[s]
            g = sig_v[s]
            n = noise_v[s]
            mu_v[s] = jnp.exp(_LN10 * m + (_LN10 * jnp.exp(g)) * n)
            return carry

        lax.fori_loop(0, b_per_w // _LANES, body, 0, unroll=False)
        pltpu.sync_copy(mu_v, out_hbm.at[pl.ds(base, b_per_w)])

    return sample_kernel


def kernel(mu, log_sigma, noise, family_ids, batch_size):
    del batch_size
    fn = _build(mu.shape[0], noise.shape[0])
    return fn(mu, log_sigma, noise, family_ids)

# --- scband reference (transcript-rebuilt; emitter-appended) ---
"""Pipeline reference for scband-log-normal-concentration-11836929867934 (READ-ONLY COPY).

The authoritative reference and input builder live on the scoring server;
editing this copy changes nothing except your own understanding.
"""

import jax, jax.numpy as jnp
import numpy as np

N_FAMILIES = 1000000
BATCH = 16384

def setup_inputs(seed: int = 0) -> dict:
    key = jax.random.key(seed)
    k_ids, k_noise = jax.random.split(key)
    family_ids = jax.random.randint(k_ids, (BATCH,), 0, N_FAMILIES, dtype=jnp.int32)
    # Buffers per torch __init__: mu = init_mean * ones(n_families); log_sigma = log(init_scale) * ones
    mu = jnp.full((N_FAMILIES,), -6.0, dtype=jnp.float32)
    log_sigma = jnp.zeros((N_FAMILIES,), dtype=jnp.float32)  # log(1.0) = 0
    # rsample noise: standard normal, reparameterization trick
    noise = jax.random.normal(k_noise, (BATCH,), dtype=jnp.float32)
    return {"mu": mu, "log_sigma": log_sigma, "noise": noise, "family_ids": family_ids, "batch_size": BATCH}

def reference(mu, log_sigma, noise, family_ids, batch_size):
    # sample(batch_size, family_ids):
    #   batch_mu = self.mu[family_ids]            (gather)
    #   batch_sigma = exp(self.log_sigma[family_ids])  (gather)
    #   log_c = Normal(batch_mu, batch_sigma).rsample() = mu + sigma * eps
    #   return 10 ** log_c
    batch_mu = jnp.take(mu, family_ids, axis=0)
    batch_sigma = jnp.exp(jnp.take(log_sigma, family_ids, axis=0))
    log_c = batch_mu + batch_sigma * noise
    return jnp.power(10.0, log_c)

if __name__ == "__main__":
    import jax
    _d = setup_inputs()
    print(jax.jit(kernel)(*tuple(_d.values())))

</pallas_src>

<mosaic_0001>
#map = affine_map<(d0, d1) -> (0)>
module attributes {stable_mosaic.version = 14 : i64} {
  func.func @sample_kernel(%arg0: i32, %arg1: i32, %arg2: memref<1000000xf32, #tpu.memory_space<hbm>>, %arg3: memref<1000000xf32, #tpu.memory_space<hbm>>, %arg4: memref<16384xf32, #tpu.memory_space<hbm>>, %arg5: memref<16384xi32, #tpu.memory_space<hbm>>, %arg6: memref<16384xf32, #tpu.memory_space<hbm>>, %arg7: memref<512xi32, #tpu.memory_space<vmem>>, %arg8: memref<512xf32, #tpu.memory_space<vmem>>, %arg9: memref<512xf32, #tpu.memory_space<vmem>>, %arg10: memref<512xf32, #tpu.memory_space<vmem>>, %arg11: memref<!tpu.dma_semaphore, #tpu.memory_space<semaphore_mem>>) attributes {dimension_semantics = [#tpu.dimension_semantics<core_parallel>, #tpu.dimension_semantics<subcore_parallel>], iteration_bounds = array<i64: 2, 16>, scalar_prefetch = 0 : i64, scratch_operands = 5 : i64, tpu.core_type = #tpu.core_type<sc_vector_subcore>, window_params = [{transform_indices = #map}, {transform_indices = #map}, {transform_indices = #map}, {transform_indices = #map}, {transform_indices = #map}]} {
    %mul3A = arith.constant 2 : i32
    %mul3A_0 = arith.muli %arg1, %mul3A : i32
    %add3A = arith.addi %mul3A_0, %arg0 : i32
    %mul3A_1 = arith.constant 512 : i32
    %mul3A_2 = arith.muli %add3A, %mul3A_1 : i32
    "tpu.region"() ({
      %run_scoped3A = tpu.sem_alloc : memref<!tpu.dma_semaphore, #tpu.memory_space<semaphore_mem>>
      %dma_start3A_14 = tpu.memref_slice %arg5[%mul3A_2] : memref<16384xi32, #tpu.memory_space<hbm>> -> memref<512xi32, #tpu.memory_space<hbm>>
      %dma_start3A_15 = tpu.memref_slice %arg5[%mul3A_2] : memref<16384xi32, #tpu.memory_space<hbm>> -> memref<512xi32, #tpu.memory_space<hbm>>
      tpu.enqueue_dma source(%dma_start3A_15 : memref<512xi32, #tpu.memory_space<hbm>>) target(%arg7 : memref<512xi32, #tpu.memory_space<vmem>>) target_semaphore(%run_scoped3A : memref<!tpu.dma_semaphore, #tpu.memory_space<semaphore_mem>>)
      %dma_wait3A_16 = tpu.memref_slice %arg5[%mul3A_2] : memref<16384xi32, #tpu.memory_space<hbm>> -> memref<512xi32, #tpu.memory_space<hbm>>
      %dma_wait3A_17 = tpu.memref_slice %arg5[%mul3A_2] : memref<16384xi32, #tpu.memory_space<hbm>> -> memref<512xi32, #tpu.memory_space<hbm>>
      tpu.wait_dma2 semaphore(%run_scoped3A : memref<!tpu.dma_semaphore, #tpu.memory_space<semaphore_mem>>) src(%dma_wait3A_17 : memref<512xi32, #tpu.memory_space<hbm>>) dst(%arg7 : memref<512xi32, #tpu.memory_space<vmem>>)
      tpu.yield
    }) : () -> ()
    %dma_start3A = arith.constant 0 : i32
    %dma_start3A_3 = tpu.memref_slice %arg2[%dma_start3A] : memref<1000000xf32, #tpu.memory_space<hbm>> -> memref<1000000xf32, #tpu.memory_space<hbm>>
    tpu.enqueue_indirect_dma source(%dma_start3A_3 : memref<1000000xf32, #tpu.memory_space<hbm>>) target(%arg8 : memref<512xf32, #tpu.memory_space<vmem>>) offsets(%arg7 : memref<512xi32, #tpu.memory_space<vmem>>) semaphore(%arg11 : memref<!tpu.dma_semaphore, #tpu.memory_space<semaphore_mem>>)
    %dma_start3A_4 = arith.constant 0 : i32
    %dma_start3A_5 = tpu.memref_slice %arg3[%dma_start3A_4] : memref<1000000xf32, #tpu.memory_space<hbm>> -> memref<1000000xf32, #tpu.memory_space<hbm>>
    tpu.enqueue_indirect_dma source(%dma_start3A_5 : memref<1000000xf32, #tpu.memory_space<hbm>>) target(%arg9 : memref<512xf32, #tpu.memory_space<vmem>>) offsets(%arg7 : memref<512xi32, #tpu.memory_space<vmem>>) semaphore(%arg11 : memref<!tpu.dma_semaphore, #tpu.memory_space<semaphore_mem>>)
    "tpu.region"() ({
      %run_scoped3A = tpu.sem_alloc : memref<!tpu.dma_semaphore, #tpu.memory_space<semaphore_mem>>
      %dma_start3A_14 = tpu.memref_slice %arg4[%mul3A_2] : memref<16384xf32, #tpu.memory_space<hbm>> -> memref<512xf32, #tpu.memory_space<hbm>>
      %dma_start3A_15 = tpu.memref_slice %arg4[%mul3A_2] : memref<16384xf32, #tpu.memory_space<hbm>> -> memref<512xf32, #tpu.memory_space<hbm>>
      tpu.enqueue_dma source(%dma_start3A_15 : memref<512xf32, #tpu.memory_space<hbm>>) target(%arg10 : memref<512xf32, #tpu.memory_space<vmem>>) target_semaphore(%run_scoped3A : memref<!tpu.dma_semaphore, #tpu.memory_space<semaphore_mem>>)
      %dma_wait3A_16 = tpu.memref_slice %arg4[%mul3A_2] : memref<16384xf32, #tpu.memory_space<hbm>> -> memref<512xf32, #tpu.memory_space<hbm>>
      %dma_wait3A_17 = tpu.memref_slice %arg4[%mul3A_2] : memref<16384xf32, #tpu.memory_space<hbm>> -> memref<512xf32, #tpu.memory_space<hbm>>
      tpu.wait_dma2 semaphore(%run_scoped3A : memref<!tpu.dma_semaphore, #tpu.memory_space<semaphore_mem>>) src(%dma_wait3A_17 : memref<512xf32, #tpu.memory_space<hbm>>) dst(%arg10 : memref<512xf32, #tpu.memory_space<vmem>>)
      tpu.yield
    }) : () -> ()
    %dma_wait3A = arith.constant 0 : i32
    %dma_wait3A_6 = tpu.memref_slice %arg2[%dma_wait3A] : memref<1000000xf32, #tpu.memory_space<hbm>> -> memref<1000000xf32, #tpu.memory_space<hbm>>
    tpu.wait_indirect_dma semaphore(%arg11 : memref<!tpu.dma_semaphore, #tpu.memory_space<semaphore_mem>>) src(%dma_wait3A_6 : memref<1000000xf32, #tpu.memory_space<hbm>>) dst(%arg8 : memref<512xf32, #tpu.memory_space<vmem>>)
    %dma_wait3A_7 = arith.constant 0 : i32
    %dma_wait3A_8 = tpu.memref_slice %arg3[%dma_wait3A_7] : memref<1000000xf32, #tpu.memory_space<hbm>> -> memref<1000000xf32, #tpu.memory_space<hbm>>
    tpu.wait_indirect_dma semaphore(%arg11 : memref<!tpu.dma_semaphore, #tpu.memory_space<semaphore_mem>>) src(%dma_wait3A_8 : memref<1000000xf32, #tpu.memory_space<hbm>>) dst(%arg9 : memref<512xf32, #tpu.memory_space<vmem>>)
    %scan3A = arith.constant 0 : i32
    %scan3A_9 = arith.constant 0 : i32
    %scan3A_10 = arith.constant 32 : i32
    %scan3A_11 = arith.addi %scan3A_9, %scan3A_10 : i32
    %scan3A_12 = arith.constant 1 : i32
    scf.for %scan3A_14 = %scan3A_9 to %scan3A_11 step %scan3A_12  : i32 {
      %mul3A_15 = arith.constant 16 : i32
      %mul3A_16 = arith.muli %scan3A_14, %mul3A_15 : i32
      %get3A = arith.index_cast %mul3A_16 : i32 to index
      %get3A_17 = tpu.vector_load %arg8[%get3A] {strides = array<i32>} : memref<512xf32, #tpu.memory_space<vmem>>, vector<16xf32>,
      %get3A_18 = vector.shape_cast %get3A_17 : vector<16xf32> to vector<16xf32>
      %get3A_19 = arith.index_cast %mul3A_16 : i32 to index
      %get3A_20 = tpu.vector_load %arg9[%get3A_19] {strides = array<i32>} : memref<512xf32, #tpu.memory_space<vmem>>, vector<16xf32>,
      %get3A_21 = vector.shape_cast %get3A_20 : vector<16xf32> to vector<16xf32>
      %get3A_22 = arith.index_cast %mul3A_16 : i32 to index
      %get3A_23 = tpu.vector_load %arg10[%get3A_22] {strides = array<i32>} : memref<512xf32, #tpu.memory_space<vmem>>, vector<16xf32>,
      %get3A_24 = vector.shape_cast %get3A_23 : vector<16xf32> to vector<16xf32>
      %mul3A_25 = arith.constant 2.30258512 : f32
      %mul3A_26 = vector.broadcast %mul3A_25 : f32 to vector<16xf32>
      %mul3A_27 = arith.mulf %mul3A_26, %get3A_18 : vector<16xf32>
      %exp3A = math.exp %get3A_21 : vector<16xf32>
      %mul3A_28 = arith.constant 2.30258512 : f32
      %mul3A_29 = vector.broadcast %mul3A_28 : f32 to vector<16xf32>
      %mul3A_30 = arith.mulf %mul3A_29, %exp3A : vector<16xf32>
      %mul3A_31 = arith.mulf %mul3A_30, %get3A_24 : vector<16xf32>
      %add3A_32 = arith.addf %mul3A_27, %mul3A_31 : vector<16xf32>
      %exp3A_33 = math.exp %add3A_32 : vector<16xf32>
      %swap3A = arith.index_cast %mul3A_16 : i32 to index
      %swap3A_34 = tpu.vector_load %arg8[%swap3A] {strides = array<i32>} : memref<512xf32, #tpu.memory_space<vmem>>, vector<16xf32>,
      %swap3A_35 = vector.shape_cast %swap3A_34 : vector<16xf32> to vector<16xf32>
      %swap3A_36 = vector.shape_cast %exp3A_33 : vector<16xf32> to vector<16xf32>
      tpu.vector_store %arg8[%swap3A], %swap3A_36 {strides = array<i32>} : memref<512xf32, #tpu.memory_space<vmem>>, vector<16xf32>,
    }
    %scan3A_13 = arith.constant 32 : i32
    "tpu.region"() ({
      %run_scoped3A = tpu.sem_alloc : memref<!tpu.dma_semaphore, #tpu.memory_space<semaphore_mem>>
      %dma_start3A_14 = tpu.memref_slice %arg6[%mul3A_2] : memref<16384xf32, #tpu.memory_space<hbm>> -> memref<512xf32, #tpu.memory_space<hbm>>
      %dma_start3A_15 = tpu.memref_slice %arg6[%mul3A_2] : memref<16384xf32, #tpu.memory_space<hbm>> -> memref<512xf32, #tpu.memory_space<hbm>>
      tpu.enqueue_dma source(%arg8 : memref<512xf32, #tpu.memory_space<vmem>>) target(%dma_start3A_15 : memref<512xf32, #tpu.memory_space<hbm>>) target_semaphore(%run_scoped3A : memref<!tpu.dma_semaphore, #tpu.memory_space<semaphore_mem>>)
      %dma_wait3A_16 = tpu.memref_slice %arg6[%mul3A_2] : memref<16384xf32, #tpu.memory_space<hbm>> -> memref<512xf32, #tpu.memory_space<hbm>>
      %dma_wait3A_17 = tpu.memref_slice %arg6[%mul3A_2] : memref<16384xf32, #tpu.memory_space<hbm>> -> memref<512xf32, #tpu.memory_space<hbm>>
      tpu.wait_dma2 semaphore(%run_scoped3A : memref<!tpu.dma_semaphore, #tpu.memory_space<semaphore_mem>>) src(%arg8 : memref<512xf32, #tpu.memory_space<vmem>>) dst(%dma_wait3A_17 : memref<512xf32, #tpu.memory_space<hbm>>)
      tpu.yield
    }) : () -> ()
    return
  }
}

</mosaic_0001>

<sc_bundles>
// kernel: kernel.3.cloned.1.call-start
scs
__scs_entry_jumppad:
0x0: {  	(pc) =	sbr.rel $0x88, $3  }
0x1: {  	(tag) =	ssettag $0x0;
	lr =	simm.s32 $0x1  }
0x2: {  	[smem:$0x3F9D] =	sst lr;
	_ =	strace $0xD0000000  }
0x3: {  	_ = 	snop  }
0x4: {  	_ = 	snop  }
0x5: {  	_ = 	snop  }
0x6: {  	_ = 	snop  }
0x7: {  	_ = 	snop  }
__scs_overlays_trampoline_lowered:
0x8: {  	[smem:$0x3FAC] =	sst s0  }
0x9: {  	[smem:$0x3FAD] =	sst s1  }
0xa: {  	[smem:$0x3FAE] =	sst s2  }
0xb: {  	[smem:$0x3FAF] =	sst s3  }
0xc: {  	[smem:$0x3FB0] =	sst s4  }
0xd: {  	[smem:$0x3FB1] =	sst s5  }
0xe: {  	[smem:$0x3FB2] =	sst s6  }
0xf: {  	[smem:$0x3FB3] =	sst s7  }
0x10: {  	[smem:$0x3FB4] =	sst s8  }
0x11: {  	[smem:$0x3FB5] =	sst s9;
	s0 =	simm.s32 @!p0 $0x0  }
0x12: {  	s1 =	sld [smem:$0x3F9B];
	s0 =	simm.s32 @p0 $0x1  }
0x13: {  	[smem:$0x3FB6] =	sst s0;
	s0 =	simm.s32 @!p1 $0x0  }
0x14: {  	s2 =	sld [smem:$0x3F9A];
	s0 =	simm.s32 @p1 $0x1  }
0x15: {  	[smem:$0x3FB7] =	sst s0;
	s0 =	simm.s32 @!p2 $0x0  }
0x16: {  	s3 =	sld [smem:$0x3FDB];
	s0 =	simm.s32 @p2 $0x1  }
0x17: {  	s4 =	simm.s32 $0x1BF5;
	[smem:$0x3FB9] =	sst s0  }
0x18: {  	s0 =	sld [smem:$0x3F9C];
	_ =	swait.ge [sflag:s4], $0x0  }
0x19: {  	s7 =	sld [smem:$0x3F9D]  }
0x1a: {  	s8 =	sadd.s32 $0xFFFFE003, lr  }
0x1b: {  	s9 =	sadd.s32 $0xFFFFFEF7, lr;
	s5 =	simm.s32 $0xFFFFFFFF;
	p2 =	slt.u32 s8, $0xFFFFF086  }
0x1c: {  	p1 =	slt.u32 s9, $0xF7A;
	s5 =	simm.s32 @!p2 $0x0  }
0x1d: {  	s5 =	simm.s32 @p1 $0x1;
	p0 =	seq.s32 s7, s2  }
0x1e: {  	s7 =	smul.u32 @!p0 $0xF7A, s2;
	p2 =	seq.s32 @!p0 s5, $0x0  }
0x1f: {  	s9 =	smul.u32 $0xF7A, s1;
	s8 =	simm.s32 @!p0 $0x1BF5;
	p2 =	por !p2, p0  }
0x20: {  	[sflag:s8] =	ssyncset.s32 @!p0 $0xFFFFF086;
	s6 =	sadd.s32 @!p0 s3, s7;
	s7 =	simm.s32 @!p0 $0x108  }
0x21: {  	s3 =	sadd.s32 s3, s9;
	s6 =	sadd.s32 @!p0 $0x88, s6;
	s7 =	simm.s32 @p2 $0x1082  }
0x22: {  	[simem:s7], [sflag:s8] =	dma.local @!p0 [hbm:s6], $0xF7A  }
0x23: {  	s9 =	sor.u32 $0xD0000000, s2;
	s6 =	simm.s32 $0x108;
	_ =	swait.ge @!p0 [sflag:s8], $0x0  }
0x24: {  	s3 =	sadd.s32 $0x88, s3;
	s6 =	simm.s32 @!p1 $0x1082;
	[sflag:s4] =	ssyncset.s32 $0xFFFFF086  }
0x25: {  	[simem:s6], [sflag:s4] =	dma.local [hbm:s3], $0xF7A  }
0x26: {  	[smem:$0x3F9D] =	sst s1;
	(tag) =	ssettag s2;
	_ =	strace s9  }
0x27: {  	s1 =	sld [smem:$0x3FAD]  }
0x28: {  	s2 =	sld [smem:$0x3FAE]  }
0x29: {  	s4 =	sld [smem:$0x3FB0]  }
0x2a: {  	p0 =	seq.s32 s5, $0x0;
	s5 =	sld [smem:$0x3FB1]  }
0x2b: {  	s6 =	sld [smem:$0x3FB2]  }
0x2c: {  	s7 =	sld [smem:$0x3FB3]  }
0x2d: {  	s3 =	simm.s32 $0x108;
	s8 =	sld [smem:$0x3FB4]  }
0x2e: {  	s3 =	simm.s32 @!p0 $0x1082;
	s9 =	sld [smem:$0x3FB5]  }
0x2f: {  	lr =	sadd.s32 s0, s3;
	s0 =	sld [smem:$0x3FAC]  }
0x30: {  	s3 =	sld [smem:$0x3FAF]  }
0x31: {  	[smem:$0x3FB8] =	sst s10  }
0x32: {  	s10 =	sld [smem:$0x3FB6];
	_ =	sdelay $0x3  }
0x33: {  	p0 =	seq.s32 s10, $0x1;
	s10 =	sld [smem:$0x3FB8];
	_ =	sdelay $0x3  }
0x34: {  	[smem:$0x3FB8] =	sst s10  }
0x35: {  	s10 =	sld [smem:$0x3FB7];
	_ =	sdelay $0x3  }
0x36: {  	p1 =	seq.s32 s10, $0x1;
	s10 =	sld [smem:$0x3FB8];
	_ =	sdelay $0x3  }
0x37: {  	[smem:$0x3FB8] =	sst s10  }
0x38: {  	s10 =	sld [smem:$0x3FB9]  }
0x39: {  	_ = 	snop;
	(pc) =	sbr.ind lr, $3  }
0x3a: {  	_ = 	snop  }
0x3b: {  	_ = 	snop  }
0x3c: {  	p2 =	seq.s32 s10, $0x1;
	s10 =	sld [smem:$0x3FB8]  }
0x3d: {  	_ =	shalt  }
0x3e: {  	_ =	shalt  }
0x3f: {  	_ =	shalt  }
0x40: {  	_ =	shalt  }
0x41: {  	_ =	shalt  }
0x42: {  	_ =	shalt  }
0x43: {  	_ =	shalt  }
0x44: {  	_ =	shalt  }
0x45: {  	_ =	shalt  }
0x46: {  	_ =	shalt  }
0x47: {  	_ =	shalt  }
0x48: {  	_ =	shalt  }
0x49: {  	_ =	shalt  }
0x4a: {  	_ =	shalt  }
0x4b: {  	_ =	shalt  }
0x4c: {  	_ =	shalt  }
0x4d: {  	_ =	shalt  }
0x4e: {  	_ =	shalt  }
0x4f: {  	_ =	shalt  }
0x50: {  	_ =	shalt  }
0x51: {  	_ =	shalt  }
0x52: {  	_ =	shalt  }
0x53: {  	_ =	shalt  }
0x54: {  	_ =	shalt  }
0x55: {  	_ =	shalt  }
0x56: {  	_ =	shalt  }
0x57: {  	_ =	shalt  }
0x58: {  	_ =	shalt  }
0x59: {  	_ =	shalt  }
0x5a: {  	_ =	shalt  }
0x5b: {  	_ =	shalt  }
0x5c: {  	_ =	shalt  }
0x5d: {  	_ =	shalt  }
0x5e: {  	_ =	shalt  }
0x5f: {  	_ =	shalt  }
0x60: {  	_ =	shalt  }
0x61: {  	_ =	shalt  }
0x62: {  	_ =	shalt  }
0x63: {  	_ =	shalt  }
0x64: {  	_ =	shalt  }
0x65: {  	_ =	shalt  }
0x66: {  	_ =	shalt  }
0x67: {  	_ =	shalt  }
0x68: {  	_ =	shalt  }
0x69: {  	_ =	shalt  }
0x6a: {  	_ =	shalt  }
0x6b: {  	_ =	shalt  }
0x6c: {  	_ =	shalt  }
0x6d: {  	_ =	shalt  }
0x6e: {  	_ =	shalt  }
0x6f: {  	_ =	shalt  }
0x70: {  	_ =	shalt  }
0x71: {  	_ =	shalt  }
0x72: {  	_ =	shalt  }
0x73: {  	_ =	shalt  }
0x74: {  	_ =	shalt  }
0x75: {  	_ =	shalt  }
0x76: {  	_ =	shalt  }
0x77: {  	_ =	shalt  }
0x78: {  	_ =	shalt  }
0x79: {  	_ =	shalt  }
0x7a: {  	_ =	shalt  }
0x7b: {  	_ =	shalt  }
0x7c: {  	_ =	shalt  }
0x7d: {  	_ =	shalt  }
0x7e: {  	_ =	shalt  }
0x7f: {  	_ =	shalt  }
0x80: {  	_ =	shalt  }
0x81: {  	_ =	shalt  }
0x82: {  	_ =	shalt  }
0x83: {  	_ =	shalt  }
0x84: {  	_ =	shalt  }
0x85: {  	_ =	shalt  }
0x86: {  	_ =	shalt  }
0x87: {  	_ =	shalt  }
.Lfunc_end0:
.L_simem_size_0:
called_computation_lowered:
.L_overlay_start_0:
0x88: {  	s2 =	sld [smem:$0x3FD9]  }
0x89: {  	s3 =	sld [smem:$0x3FFE];
	_ =	sdelay $0x1  }
0x8a: {  	s1 =	srdreg.scid  }
0x8b: {  	s0 =	sand.u32 $0x1, s1  }
0x8c: {  	s18 =	sshll.u32 s0, $0xA;
	s2 =	sadd.s32 s3, s2  }
0x8d: {  	s2 =	sadd.s32 s2, s18  }
0x8e: {  	[smem:$0x3FC4] =	sst s2  }
0x8f: {  	_ = 	snop  }
0x90: {  	s2 =	sld [smem:$0x3FC9]  }
0x91: {  	s19 =	sld [smem:$0x3FC8]  }
0x92: {  	s4 =	sld [smem:$0x3FC7]  }
0x93: {  	s5 =	sld [smem:$0x3FC6]  }
0x94: {  	s6 =	sld [smem:$0x3FD0];
	(tm) =	ssettm $0x1  }
0x95: {  	s7 =	sld [smem:$0x3FFB];
	_ =	sdelay $0x3  }
0x96: {  	_ =	strace s7  }
0x97: {  	s7 =	sld [smem:$0x3FFC];
	_ =	sdelay $0x3  }
0x98: {  	_ =	strace s7  }
0x99: {  	s7 =	sld [smem:$0x3FFD];
	_ =	sdelay $0x3  }
0x9a: {  	_ =	strace s7  }
0x9b: {  	_ =	strace $0x8FFFFFFF  }
0x9c: {  	s20 =	sld [smem:$0x3FDB];
	_ =	sdelay $0x1  }
0x9d: {  	s8 =	simm.s32 $_scs_section_size  }
0x9e: {  	s9 =	simm.s32 $_size__tile_overlayer_lowered;
	s10 =	simm.s32 $_tile_overlayer_lowered  }
0x9f: {  	s23 =	simm.s32 $0x1BFF;
	s22 =	sshll.u32 s10, $0x1;
	s7 =	sadd.s32 s8, s20  }
0xa0: {  	s11 =	simm.s32 $0x0;
	s21 =	sshll.u32 s9, $0x1;
	s9 =	sadd.s32 s22, s7  }
0xa1: {  	[timem:s11], [sflag:s23] =	dma.local [hbm:s9], s21  }
0xa2: {  	_ =	swait.ge [sflag:s23], s21  }
0xa3: {  	s8 =	ssub.s32 $0x0, s21;
	[sflag:s23] =	ssyncset.done $0x0  }
0xa4: {  	[sflag:s23] =	ssyncadd.s32 s8;
	_ =	sdelay $0x1  }
0xa5: {  	s24 =	simm.s32 $0x1B8B  }
0xa6: {  	_ =	swait.ge [sflag:s24], $0x1  }
0xa7: {  	[sflag:s24] =	ssyncset.done $0x0  }
0xa8: {  	s25 =	simm.s32 $0x1B8E;
	[sflag:s24] =	ssyncadd.s32 $0xFFFFFFFF  }
0xa9: {  	s26 =	simm.s32 $execute0_lowered;
	[smem:$0x3FD2] =	sst s25  }
0xaa: {  	s8 =	sshll.u32 s26, $0x1;
	_ =	strace $0x80000046;
	[dreg:$0x1] =	wrdreg $0xFFFFFFFF  }
0xab: {  	s28 =	simm.s32 $_size_execute0_lowered;
	s7 =	sadd.s32 s7, s8;
	[dreg:$0x0] =	wrdreg $0x0  }
0xac: {  	s8 =	sshll.u32 s28, $0x1;
	[dreg:$0x2] =	wrdreg s7  }
0xad: {  	[dreg:$0x3] =	wrdreg s8  }
0xae: {  	[dreg:$0x4] =	wrdreg $0xC0  }
0xaf: {  	_ =	task [dreg:s11], $0x5FFFF  }
0xb0: {  	[dreg:$0x1] =	wrdreg $0xFFFFFFFF  }
0xb1: {  	[dreg:$0x0] =	wrdreg $0x60  }
0xb2: {  	[dreg:$0x2] =	wrdreg s2  }
0xb3: {  	[dreg:$0x3] =	wrdreg s19  }
0xb4: {  	[dreg:$0x4] =	wrdreg s4  }
0xb5: {  	[dreg:$0x5] =	wrdreg s5  }
0xb6: {  	[dreg:$0x6] =	wrdreg s6  }
0xb7: {  	[dreg:$0x7] =	wrdreg $0x9  }
0xb8: {  	_ =	task.clear_ibuf [dreg:s11], $0x8FFFF;
	_ =	strace $0x90000046  }
0xb9: {  	s29 =	simm.s32 $0x9;
	_ =	strace $0x80000048  }
0xba: {  	_ =	swait.ge [sflag:s29], $0x1  }
0xbb: {  	[sflag:s29] =	ssyncadd.s32 $0xFFFFFFFF  }
0xbc: {  	_ =	strace $0x90000048  }
0xbd: {  	_ =	sfence  }
0xbe: {  	s30 =	sld [smem:$0x0];
	_ =	sdelay $0x2  }
0xbf: {  	s31 =	sshll.u32 s1, $0xD;
	s1 =	sshrl.u32 s1, $0x2  }
0xc0: {  	s3 =	sand.u32 $0x4000, s31;
	s1 =	sadd.s32 s1, s30  }
0xc1: {  	s0 =	sor.u32 s3, s0;
	s1 =	sshll.u32 s1, $0x11  }
0xc2: {  	s0 =	sor.u32 s1, s0  }
0xc3: {  	s0 =	sadd.s32 $0x8F2B, s0  }
0xc4: {  	[sflag:s0] =	ssyncadd.remote.s32 $0x1  }
0xc5: {  	_ =	sfence.sel $0xFFFF  }
0xc6: {  	[dreg:$0x0] =	wrdreg $0xFFFFFFFF;
	(pc) =	sbr.abs _section_cstart, $3  }
0xc7: {  	[dreg:$0x1] =	wrdreg $0xFFFFFFFF  }
0xc8: {  	_ =	task.clear_ibuf [dreg:s11], $0x2FFFF;
	_ =	strace $0x9FFFFFFF  }
0xc9: {  	(tm) =	ssettm $0x7FFFFFFF  }
tec
execute0_lowered:
.L_overlay_start_1:
0x0: {  	(tag) =	ssettag $0x1  }
0x1: {  	s1 =	rddreg [dreg:$0x0]  }
0x2: {  	s2 =	rddreg [dreg:$0x1]  }
0x3: {  	s6 =	rddreg [dreg:$0x2]  }
0x4: {  	s5 =	rddreg [dreg:$0x3]  }
0x5: {  	s7 =	rddreg [dreg:$0x4]  }
0x6: {  	s0 =	rddreg [dreg:$0x5];
	s8 =	srdreg.scid  }
0x7: {  	s4 =	simm.s32 $0x0;
	s3 =	stileid.u32;
	s12 =	simm.s32 $0x600  }
0x8: {  	s13 =	simm.s32 $0x1;
	s14 =	simm.s32 $0x0;
	s8 =	sand.u32 $0x1, s8  }
0x9: {  	s10 =	sshll.u32 s3, $0x7;
	[smem:$0x7FF] =	sst s4;
	s9 =	ssub.s32 $0x2, s8  }
0xa: {  	s8 =	sshll.u32 s8, $0x6;
	_ =	strace $0x80000047;
	s11 =	sshrl.u32 s9, $0x1  }
0xb: {  	s8 =	sor.u32 s8, s10;
	s10 =	simm.s32 $0x200;
	s9 =	ssub.s32 s9, s11  }
0xc: {  	s5 =	sadd.s32 s5, s8;
	s6 =	sadd.s32 s6, s8;
	s7 =	sadd.s32 s7, s8  }
0xd: {  	s11 =	simm.s32 $0x400;
	s8 =	smax.u32 s9, $0x1;
	s9 =	simm.s32 $0x2  }
.LBB2_1:
0xe: {  	[tilespmem:s4], [sflag:$0x2] =	stream.linear.gather [hbm4b:s5+s4], $0x200, $0x38;
	[tilespmem:$0x800] =	vst v63  }
0xf: {  	_ =	swait.ge [sflag:s9], $0x200  }
0x10: {  	[sflag:s9] =	ssyncset.done $0x0  }
0x11: {  	[sflag:s9] =	ssyncadd.s32 $0xFFFFFE00  }
0x12: {  	[tilespmem:s10], [sflag:$0x1] =	stream.indirect.gather [hbm4b:s1+s10], $0x1, s4, s10, $0xb8;
	[tilespmem:$0x800] =	vst v63  }
0x13: {  	_ = 	snop  }
0x14: {  	[tilespmem:s11], [sflag:$0x1] =	stream.indirect.gather [hbm4b:s2+s10], $0x1, s4, s10, $0xb8;
	[tilespmem:$0x800] =	vst v63  }
0x15: {  	_ = 	snop  }
0x16: {  	[tilespmem:s12], [sflag:$0x2] =	stream.linear.gather [hbm4b:s6+s4], $0x200, $0x38;
	[tilespmem:$0x800] =	vst v63  }
0x17: {  	_ =	swait.ge [sflag:s9], $0x200  }
0x18: {  	[sflag:s9] =	ssyncset.done $0x0  }
0x19: {  	[sflag:s9] =	ssyncadd.s32 $0xFFFFFE00  }
0x1a: {  	_ =	swait.ge [sflag:s13], $0x200  }
0x1b: {  	[sflag:s13] =	ssyncset.done $0x0  }
0x1c: {  	[sflag:s13] =	ssyncadd.s32 $0xFFFFFE00  }
0x1d: {  	_ =	swait.ge [sflag:s13], $0x200  }
0x1e: {  	[sflag:s13] =	ssyncset.done $0x0  }
0x1f: {  	s15 =	simm.s32 $0x0;
	[sflag:s13] =	ssyncadd.s32 $0xFFFFFE00  }
0x20: {  	v0 =	vld [tilespmem:s15+$0x400];
	_ =	sdelay $0x4  }
0x21: {  	v0 =	vmul.f32 $1.442695020e+00, v0;
	_ =	sdelay $0x1  }
0x22: {  	(erf) = vpow2.f32 v0;
	_ =	sdelay $0x5  }
0x23: {  	v1 =	vld [tilespmem:s15+$0x200]  }
0x24: {  	v0 =	vld [tilespmem:s15+$0x600];
	_ =	sdelay $0x1  }
0x25: {  	v2 =	vpop (erf)  }
0x26: {  	v2 =	vmul.f32 $2.302585120e+00, v2;
	_ =	sdelay $0x1  }
0x27: {  	v1 =	vmul.f32 $2.302585120e+00, v1;
	v0 =	vmul.f32 v2, v0;
	_ =	sdelay $0x1  }
0x28: {  	s16 =	simm.s32 $0x10;
	s17 =	simm.s32 $0x80;
	v0 =	vadd.f32 v0, v1  }
.LBB2_2:
0x29: {  	p0 =	sne.s32 s17, $0x7C0;
	v1 =	vld [tilespmem:s16+$0x400]  }
0x2a: {  	v0 =	vmul.f32 $1.442695020e+00, v0;
	_ =	sdelay $0x1  }
0x2b: {  	(erf) = vpow2.f32 v0;
	_ =	sdelay $0x1  }
0x2c: {  	v0 =	vmul.f32 $1.442695020e+00, v1;
	_ =	sdelay $0x1  }
0x2d: {  	(erf) = vpow2.f32 v0;
	_ =	sdelay $0x4  }
0x2e: {  	v0 =	vpop (erf)  }
0x2f: {  	v1 =	vld [tilespmem:s16+$0x600];
	[tilespmem:s15+$0x200] =	vst v0;
	s15 =	smov.u32 s16  }
0x30: {  	v0 =	vld [tilespmem:s15+$0x200];
	_ =	sdelay $0x1  }
0x31: {  	v2 =	vpop (erf)  }
.Ltmp0:
0x32: {  	v2 =	vmul.f32 $2.302585120e+00, v2;
	(pc) =	sbr.rel @p0 .LBB2_2-.Ltmp0, $3  }
0x33: {  	_ = 	snop  }
0x34: {  	v0 =	vmul.f32 $2.302585120e+00, v0;
	v1 =	vmul.f32 v2, v1;
	_ =	sdelay $0x1  }
0x35: {  	s16 =	sshra.s32 s17, $0x2;
	s17 =	sadd.s32 $0x40, s17;
	v0 =	vadd.f32 v1, v0  }
0x36: {  	v1 =	vld [tilespmem:s16+$0x400]  }
0x37: {  	v0 =	vmul.f32 $1.442695020e+00, v0;
	_ =	sdelay $0x1  }
0x38: {  	(erf) = vpow2.f32 v0;
	_ =	sdelay $0x1  }
0x39: {  	v61 =	vmul.f32 $1.442695020e+00, v1;
	_ =	sdelay $0x1  }
0x3a: {  	(erf) = vpow2.f32 v61;
	_ =	sdelay $0x4  }
0x3b: {  	v62 =	vpop (erf)  }
0x3c: {  	v63 =	vld [tilespmem:s16+$0x600];
	[tilespmem:s15+$0x200] =	vst v62  }
0x3d: {  	v0 =	vld [tilespmem:s16+$0x200];
	_ =	sdelay $0x1  }
0x3e: {  	v2 =	vpop (erf)  }
0x3f: {  	v2 =	vmul.f32 $2.302585120e+00, v2;
	_ =	sdelay $0x1  }
0x40: {  	v0 =	vmul.f32 $2.302585120e+00, v0;
	v1 =	vmul.f32 v2, v63;
	_ =	sdelay $0x1  }
0x41: {  	v0 =	vadd.f32 v1, v0;
	_ =	sdelay $0x1  }
0x42: {  	v0 =	vmul.f32 $1.442695020e+00, v0;
	_ =	sdelay $0x1  }
0x43: {  	(erf) = vpow2.f32 v0;
	_ =	sdelay $0x7  }
0x44: {  	s14 =	sadd.s32 $0x1, s14  }
0x45: {  	p0 =	sne.s32 s14, s8;
	v0 =	vpop (erf)  }
.Ltmp1:
0x46: {  	[tilespmem:s16+$0x200] =	vst v0;
	(pc) =	sbr.rel @p0 .LBB2_1-.Ltmp1, $4  }
0x47: {  	[hbm4b:s7+s4] =	stream.linear.scatter [tilespmem:s10], [sflag:$0x2], $0x200, $0x38;
	[tilespmem:$0x800] =	vst v63  }
0x48: {  	_ =	swait.ge [sflag:s9], $0x200  }
0x49: {  	[sflag:s9] =	ssyncset.done $0x0  }
0x4a: {  	[sflag:s9] =	ssyncadd.s32 $0xFFFFFE00  }
0x4b: {  	_ =	sfence.sel $0x180000  }
0x4c: {  	[bflag:$0x0] =	sbarrier.arrive $0xFFFF  }
0x4d: {  	p0 =	sne.s32 s3, $0x0;
	_ =	strace $0x90000047  }
0x4e: {  	s0 =	sadd.s32 @!p0 $0x100000, s0;
	[bflag:$0x2] =	sbarrier.arrive $0xFFFF  }
0x4f: {  	[sflag:s0] =	ssyncadd.tile.s32 @!p0 $0x1;
	_ =	shalt  }
.Lfunc_end2:
_tile_overlayer_lowered:
.L_overlay_start_2:
0x50: {  	(tag) =	ssettag $0x2  }
0x51: {  	s0 =	rddreg [dreg:$0x0];
	s2 =	stileid.u32  }
0x52: {  	s1 =	rddreg [dreg:$0x1];
	p0 =	sne.s32 s2, $0x0  }
0x53: {  	s3 =	rddreg [dreg:$0x2];
	[bflag:$0x3] =	sbarrier.arrive $0xFFFF;
	s2 =	simm.s32 @!p0 $0x1C02  }
0x54: {  	[timem:s3], [sflag:s2] =	dma.local @!p0 [hbm:s0], s1  }
0x55: {  	s0 =	simm.s32 @!p0 $0x2  }
0x56: {  	_ =	swait.ge @!p0 [sflag:s0], s1  }
0x57: {  	s1 =	ssub.s32 @!p0 $0x0, s1;
	[sflag:s0] =	ssyncset.done @!p0 $0x0  }
0x58: {  	[sflag:s0] =	ssyncadd.s32 @!p0 s1  }
0x59: {  	[bflag:$0x3] =	sbarrier.arrive $0xFFFF  }
0x5a: {  	_ =	shalt  }

</sc_bundles>
